<compile_context>
chip_gen: v7x
topology: tpu7x:2x2x1
jax: 0.10.2.dev20260603
libtpu: 0.0.44.dev20260713+nightly
codegen_flags: <defaults>
</compile_context>

<pallas_src>
import functools

import jax
import jax.numpy as jnp
from jax import lax
from jax.experimental import pallas as pl
from jax.experimental.pallas import tpu as pltpu
from jax.experimental.pallas import tpu_sc as plsc

_K = 8
_CHUNK = 2048
_BIGF = 3e38


def _logmap_from_matrix(R):
    trace = R[:, 0, 0] + R[:, 1, 1] + R[:, 2, 2]
    cos_t = jnp.clip((trace - 1.0) * 0.5, -1.0 + 1e-7, 1.0 - 1e-7)
    theta = jnp.arccos(cos_t)
    sin_t = jnp.sin(theta)
    scale = jnp.where(theta < 1e-6, 0.5, theta / (2.0 * sin_t))
    vee = jnp.stack([R[:, 2, 1] - R[:, 1, 2], R[:, 0, 2] - R[:, 2, 0],
                     R[:, 1, 0] - R[:, 0, 1]], axis=-1)
    return scale[:, None] * vee


def _feat6(poses, w=0.01):
    return jnp.concatenate(
        [(1.0 - w) * poses[:, :3, 3], w * _logmap_from_matrix(poses[:, :3, :3])],
        axis=1)


def _topk_body(qf_ref, tf_ref, q2_ref, t2_ref, col_ref, oi_ref, tv, ti):
    c = pl.program_id(0)
    nch = pl.num_programs(0)
    q = qf_ref.shape[0]
    chunk = tf_ref.shape[1]

    @pl.when(c == 0)
    def _init():
        tv[...] = jnp.full((q, _K), _BIGF, jnp.float32)
        ti[...] = jnp.zeros((q, _K), jnp.float32)

    mm = lax.dot_general(qf_ref[...], tf_ref[...],
                         (((1,), (0,)), ((), ())),
                         preferred_element_type=jnp.float32)
    d2 = (q2_ref[...] + t2_ref[...]) - 2.0 * mm
    col = col_ref[...]

    wv = tv[...]
    wi = ti[...]
    nvs, nis = [], []
    for _ in range(_K):
        v = jnp.minimum(jnp.min(d2, axis=1, keepdims=True),
                        jnp.min(wv, axis=1, keepdims=True))
        i = jnp.minimum(
            jnp.min(jnp.where(d2 == v, col, _BIGF), axis=1, keepdims=True),
            jnp.min(jnp.where(wv == v, wi, _BIGF), axis=1, keepdims=True))
        nvs.append(v)
        nis.append(i)
        d2 = jnp.where(col == i, _BIGF, d2)
        wv = jnp.where(wi == i, _BIGF, wv)
    tv[...] = jnp.concatenate(nvs, axis=1)
    ti[...] = jnp.concatenate(nis, axis=1)

    @pl.when(c == nch - 1)
    def _emit():
        oi_ref[...] = ti[...].astype(jnp.int32)


def _topk_indices(qfp, tft, q2c, t2p, colp):
    q = qfp.shape[0]
    npad = tft.shape[1]
    nch = npad // _CHUNK
    return pl.pallas_call(
        _topk_body,
        grid=(nch,),
        in_specs=[
            pl.BlockSpec((q, 8), lambda c: (0, 0)),
            pl.BlockSpec((8, _CHUNK), lambda c: (0, c)),
            pl.BlockSpec((q, 1), lambda c: (0, 0)),
            pl.BlockSpec((1, _CHUNK), lambda c: (0, c)),
            pl.BlockSpec((1, _CHUNK), lambda c: (0, c)),
        ],
        out_specs=pl.BlockSpec((q, _K), lambda c: (0, 0)),
        out_shape=jax.ShapeDtypeStruct((q, _K), jnp.int32),
        scratch_shapes=[
            pltpu.VMEM((q, _K), jnp.float32),
            pltpu.VMEM((q, _K), jnp.float32),
        ],
    )(qfp, tft, q2c, t2p, colp)


def _gather_rows(idx_flat, t0, t1, t2):
    b = idx_flat.shape[0]
    nw = 32
    bw = b // nw
    mesh = plsc.VectorSubcoreMesh(core_axis_name="c", subcore_axis_name="s")

    @functools.partial(
        pl.kernel, mesh=mesh,
        out_type=[jax.ShapeDtypeStruct((b, 16), jnp.float32),
                  jax.ShapeDtypeStruct((b, 16), jnp.float32),
                  jax.ShapeDtypeStruct((b, 16), jnp.float32)],
        compiler_params=pltpu.CompilerParams(use_tc_tiling_on_sc=False),
        scratch_types=[
            pltpu.VMEM((bw,), jnp.int32),
            pltpu.VMEM((bw, 16), jnp.float32),
            pltpu.VMEM((bw, 16), jnp.float32),
            pltpu.VMEM((bw, 16), jnp.float32),
            pltpu.SemaphoreType.DMA,
            pltpu.SemaphoreType.DMA,
            pltpu.SemaphoreType.DMA,
        ],
    )
    def k(idx_hbm, t0_hbm, t1_hbm, t2_hbm, o0, o1, o2,
          idx_v, r0, r1, r2, s0, s1, s2):
        wid = lax.axis_index("s") * 2 + lax.axis_index("c")
        base = wid * bw
        pltpu.sync_copy(idx_hbm.at[pl.ds(base, bw)], idx_v)
        c0 = pltpu.async_copy(t0_hbm.at[idx_v], r0, s0)
        c1 = pltpu.async_copy(t1_hbm.at[idx_v], r1, s1)
        c2 = pltpu.async_copy(t2_hbm.at[idx_v], r2, s2)
        c0.wait()
        c1.wait()
        c2.wait()
        pltpu.sync_copy(r0, o0.at[pl.ds(base, bw)])
        pltpu.sync_copy(r1, o1.at[pl.ds(base, bw)])
        pltpu.sync_copy(r2, o2.at[pl.ds(base, bw)])

    return k(idx_flat, t0, t1, t2)


def kernel(poses, cam_poses, embeddings, query, nn_k):
    n = poses.shape[0]
    q = query.shape[0]
    tf = _feat6(poses)
    qf = _feat6(query)
    q2 = (qf ** 2).sum(-1)
    t2 = (tf ** 2).sum(-1)

    npad = ((n + _CHUNK - 1) // _CHUNK) * _CHUNK
    qfp = jnp.zeros((q, 8), jnp.float32).at[:, :6].set(qf)
    tft = jnp.zeros((8, npad), jnp.float32).at[:6, :n].set(tf.T)
    q2c = q2[:, None]
    t2p = jnp.full((1, npad), 1e30, jnp.float32).at[0, :n].set(t2)
    colp = jnp.arange(npad, dtype=jnp.float32)[None, :]

    idx = _topk_indices(qfp, tft, q2c, t2p, colp)
    flat = idx.reshape(-1)

    p_rows, c_rows, e_rows = _gather_rows(
        flat, poses.reshape(n, 16), cam_poses.reshape(n, 16), embeddings)
    return (p_rows.reshape(q, _K, 4, 4),
            c_rows.reshape(q, _K, 4, 4),
            e_rows.reshape(q, _K, 16))

# --- scband reference (transcript-rebuilt; emitter-appended) ---
"""Pipeline reference for scband-tactile-tree-43636867728002 (READ-ONLY COPY).

The authoritative reference and input builder live on the scoring server;
editing this copy changes nothing except your own understanding.
"""

import jax, jax.numpy as jnp
import numpy as np

N = 100000
Q = 1024
D_EMB = 16
K_NN = 8
W = 0.01


def _skew(v):
    z = jnp.zeros(v.shape[:-1])
    return jnp.stack([
        jnp.stack([z, -v[..., 2], v[..., 1]], axis=-1),
        jnp.stack([v[..., 2], z, -v[..., 0]], axis=-1),
        jnp.stack([-v[..., 1], v[..., 0], z], axis=-1),
    ], axis=-2)


def _random_se3(key, n):
    k1, k2 = jax.random.split(key)
    aa = jax.random.normal(k1, (n, 3), dtype=jnp.float32)
    theta = jnp.linalg.norm(aa, axis=-1, keepdims=True) + 1e-9
    axis = aa / theta
    K = _skew(axis)
    th = theta[..., None]
    R = jnp.eye(3, dtype=jnp.float32)[None] + jnp.sin(th) * K + (1.0 - jnp.cos(th)) * (K @ K)
    t = jax.random.normal(k2, (n, 3), dtype=jnp.float32) * 0.5
    top = jnp.concatenate([R, t[..., None]], axis=-1)
    bottom = jnp.tile(jnp.array([[[0.0, 0.0, 0.0, 1.0]]], dtype=jnp.float32), (n, 1, 1))
    return jnp.concatenate([top, bottom], axis=1)


def get_logmap_from_matrix(R):
    trace = R[:, 0, 0] + R[:, 1, 1] + R[:, 2, 2]
    cos_t = jnp.clip((trace - 1.0) * 0.5, -1.0 + 1e-7, 1.0 - 1e-7)
    theta = jnp.arccos(cos_t)
    sin_t = jnp.sin(theta)
    scale = jnp.where(theta < 1e-6, 0.5, theta / (2.0 * sin_t))
    vee = jnp.stack([R[:, 2, 1] - R[:, 1, 2], R[:, 0, 2] - R[:, 2, 0], R[:, 1, 0] - R[:, 0, 1]], axis=-1)
    return scale[:, None] * vee


def R3_SE3(poses, w=W):
    return jnp.concatenate([(1.0 - w) * poses[:, :3, 3], w * get_logmap_from_matrix(poses[:, :3, :3])], axis=1)


def setup_inputs(seed: int = 0):
    key = jax.random.key(seed)
    k1, k2, k3, k4 = jax.random.split(key, 4)
    poses = _random_se3(k1, N)
    cam_poses = _random_se3(k2, N)
    embeddings = jax.random.normal(k3, (N, D_EMB), dtype=jnp.float32)
    query = _random_se3(k4, Q)
    return {"poses": poses, "cam_poses": cam_poses, "embeddings": embeddings, "query": query, "nn_k": K_NN}


def reference(poses, cam_poses, embeddings, query, nn_k):
    # tree features are precomputed in __init__ (KDTree.fit on R3_SE3(poses));
    # here the exact L2 kNN is done by brute force (same result as nanoflann exact L2).
    tree_feats = R3_SE3(poses)
    q_feats = R3_SE3(query)
    d2 = (q_feats ** 2).sum(-1)[:, None] + (tree_feats ** 2).sum(-1)[None, :] - 2.0 * (q_feats @ tree_feats.T)
    d2 = d2 + jnp.asarray(nn_k, dtype=d2.dtype) * jnp.zeros((), dtype=d2.dtype)
    _, idx = jax.lax.top_k(-d2, K_NN)  # [Q, nn_k], sorted nearest-first
    return (poses[idx], cam_poses[idx], embeddings[idx])

if __name__ == "__main__":
    import jax
    _d = setup_inputs()
    print(jax.jit(kernel)(*tuple(_d.values())))

</pallas_src>

<mosaic_0001>
#map = affine_map<(d0, d1) -> (0)>
#map1 = affine_map<(d0, d1) -> (0, 0)>
module attributes {stable_mosaic.version = 14 : i64} {
  func.func @k(%arg0: i32, %arg1: i32, %arg2: memref<8192xi32, #tpu.memory_space<hbm>>, %arg3: memref<100000x16xf32, #tpu.memory_space<hbm>>, %arg4: memref<100000x16xf32, #tpu.memory_space<hbm>>, %arg5: memref<100000x16xf32, #tpu.memory_space<hbm>>, %arg6: memref<8192x16xf32, #tpu.memory_space<hbm>>, %arg7: memref<8192x16xf32, #tpu.memory_space<hbm>>, %arg8: memref<8192x16xf32, #tpu.memory_space<hbm>>, %arg9: memref<256xi32, #tpu.memory_space<vmem>>, %arg10: memref<256x16xf32, #tpu.memory_space<vmem>>, %arg11: memref<256x16xf32, #tpu.memory_space<vmem>>, %arg12: memref<256x16xf32, #tpu.memory_space<vmem>>, %arg13: memref<!tpu.dma_semaphore, #tpu.memory_space<semaphore_mem>>, %arg14: memref<!tpu.dma_semaphore, #tpu.memory_space<semaphore_mem>>, %arg15: memref<!tpu.dma_semaphore, #tpu.memory_space<semaphore_mem>>) attributes {dimension_semantics = [#tpu.dimension_semantics<core_parallel>, #tpu.dimension_semantics<subcore_parallel>], iteration_bounds = array<i64: 2, 16>, scalar_prefetch = 0 : i64, scratch_operands = 7 : i64, tpu.core_type = #tpu.core_type<sc_vector_subcore>, window_params = [{transform_indices = #map}, {transform_indices = #map1}, {transform_indices = #map1}, {transform_indices = #map1}, {transform_indices = #map1}, {transform_indices = #map1}, {transform_indices = #map1}]} {
    %mul3A = arith.constant 2 : i32
    %mul3A_0 = arith.muli %arg1, %mul3A : i32
    %add3A = arith.addi %mul3A_0, %arg0 : i32
    %mul3A_1 = arith.constant 256 : i32
    %mul3A_2 = arith.muli %add3A, %mul3A_1 : i32
    "tpu.region"() ({
      %run_scoped3A = tpu.sem_alloc : memref<!tpu.dma_semaphore, #tpu.memory_space<semaphore_mem>>
      %dma_start3A_19 = tpu.memref_slice %arg2[%mul3A_2] : memref<8192xi32, #tpu.memory_space<hbm>> -> memref<256xi32, #tpu.memory_space<hbm>>
      %dma_start3A_20 = tpu.memref_slice %arg2[%mul3A_2] : memref<8192xi32, #tpu.memory_space<hbm>> -> memref<256xi32, #tpu.memory_space<hbm>>
      tpu.enqueue_dma source(%dma_start3A_20 : memref<256xi32, #tpu.memory_space<hbm>>) target(%arg9 : memref<256xi32, #tpu.memory_space<vmem>>) target_semaphore(%run_scoped3A : memref<!tpu.dma_semaphore, #tpu.memory_space<semaphore_mem>>)
      %dma_wait3A_21 = tpu.memref_slice %arg2[%mul3A_2] : memref<8192xi32, #tpu.memory_space<hbm>> -> memref<256xi32, #tpu.memory_space<hbm>>
      %dma_wait3A_22 = tpu.memref_slice %arg2[%mul3A_2] : memref<8192xi32, #tpu.memory_space<hbm>> -> memref<256xi32, #tpu.memory_space<hbm>>
      tpu.wait_dma2 semaphore(%run_scoped3A : memref<!tpu.dma_semaphore, #tpu.memory_space<semaphore_mem>>) src(%dma_wait3A_22 : memref<256xi32, #tpu.memory_space<hbm>>) dst(%arg9 : memref<256xi32, #tpu.memory_space<vmem>>)
      tpu.yield
    }) : () -> ()
    %dma_start3A = arith.constant 0 : i32
    %dma_start3A_3 = arith.constant 0 : i32
    %dma_start3A_4 = tpu.memref_slice %arg3[%dma_start3A, %dma_start3A_3] : memref<100000x16xf32, #tpu.memory_space<hbm>> -> memref<100000x16xf32, #tpu.memory_space<hbm>>
    tpu.enqueue_indirect_dma source(%dma_start3A_4 : memref<100000x16xf32, #tpu.memory_space<hbm>>) target(%arg10 : memref<256x16xf32, #tpu.memory_space<vmem>>) offsets(%arg9 : memref<256xi32, #tpu.memory_space<vmem>>) semaphore(%arg13 : memref<!tpu.dma_semaphore, #tpu.memory_space<semaphore_mem>>)
    %dma_start3A_5 = arith.constant 0 : i32
    %dma_start3A_6 = arith.constant 0 : i32
    %dma_start3A_7 = tpu.memref_slice %arg4[%dma_start3A_5, %dma_start3A_6] : memref<100000x16xf32, #tpu.memory_space<hbm>> -> memref<100000x16xf32, #tpu.memory_space<hbm>>
    tpu.enqueue_indirect_dma source(%dma_start3A_7 : memref<100000x16xf32, #tpu.memory_space<hbm>>) target(%arg11 : memref<256x16xf32, #tpu.memory_space<vmem>>) offsets(%arg9 : memref<256xi32, #tpu.memory_space<vmem>>) semaphore(%arg14 : memref<!tpu.dma_semaphore, #tpu.memory_space<semaphore_mem>>)
    %dma_start3A_8 = arith.constant 0 : i32
    %dma_start3A_9 = arith.constant 0 : i32
    %dma_start3A_10 = tpu.memref_slice %arg5[%dma_start3A_8, %dma_start3A_9] : memref<100000x16xf32, #tpu.memory_space<hbm>> -> memref<100000x16xf32, #tpu.memory_space<hbm>>
    tpu.enqueue_indirect_dma source(%dma_start3A_10 : memref<100000x16xf32, #tpu.memory_space<hbm>>) target(%arg12 : memref<256x16xf32, #tpu.memory_space<vmem>>) offsets(%arg9 : memref<256xi32, #tpu.memory_space<vmem>>) semaphore(%arg15 : memref<!tpu.dma_semaphore, #tpu.memory_space<semaphore_mem>>)
    %dma_wait3A = arith.constant 0 : i32
    %dma_wait3A_11 = arith.constant 0 : i32
    %dma_wait3A_12 = tpu.memref_slice %arg3[%dma_wait3A, %dma_wait3A_11] : memref<100000x16xf32, #tpu.memory_space<hbm>> -> memref<100000x16xf32, #tpu.memory_space<hbm>>
    tpu.wait_indirect_dma semaphore(%arg13 : memref<!tpu.dma_semaphore, #tpu.memory_space<semaphore_mem>>) src(%dma_wait3A_12 : memref<100000x16xf32, #tpu.memory_space<hbm>>) dst(%arg10 : memref<256x16xf32, #tpu.memory_space<vmem>>)
    %dma_wait3A_13 = arith.constant 0 : i32
    %dma_wait3A_14 = arith.constant 0 : i32
    %dma_wait3A_15 = tpu.memref_slice %arg4[%dma_wait3A_13, %dma_wait3A_14] : memref<100000x16xf32, #tpu.memory_space<hbm>> -> memref<100000x16xf32, #tpu.memory_space<hbm>>
    tpu.wait_indirect_dma semaphore(%arg14 : memref<!tpu.dma_semaphore, #tpu.memory_space<semaphore_mem>>) src(%dma_wait3A_15 : memref<100000x16xf32, #tpu.memory_space<hbm>>) dst(%arg11 : memref<256x16xf32, #tpu.memory_space<vmem>>)
    %dma_wait3A_16 = arith.constant 0 : i32
    %dma_wait3A_17 = arith.constant 0 : i32
    %dma_wait3A_18 = tpu.memref_slice %arg5[%dma_wait3A_16, %dma_wait3A_17] : memref<100000x16xf32, #tpu.memory_space<hbm>> -> memref<100000x16xf32, #tpu.memory_space<hbm>>
    tpu.wait_indirect_dma semaphore(%arg15 : memref<!tpu.dma_semaphore, #tpu.memory_space<semaphore_mem>>) src(%dma_wait3A_18 : memref<100000x16xf32, #tpu.memory_space<hbm>>) dst(%arg12 : memref<256x16xf32, #tpu.memory_space<vmem>>)
    "tpu.region"() ({
      %run_scoped3A = tpu.sem_alloc : memref<!tpu.dma_semaphore, #tpu.memory_space<semaphore_mem>>
      %dma_start3A_19 = arith.constant 0 : i32
      %dma_start3A_20 = tpu.memref_slice %arg6[%mul3A_2, %dma_start3A_19] : memref<8192x16xf32, #tpu.memory_space<hbm>> -> memref<256x16xf32, #tpu.memory_space<hbm>>
      %dma_start3A_21 = arith.constant 0 : i32
      %dma_start3A_22 = tpu.memref_slice %arg6[%mul3A_2, %dma_start3A_21] : memref<8192x16xf32, #tpu.memory_space<hbm>> -> memref<256x16xf32, #tpu.memory_space<hbm>>
      tpu.enqueue_dma source(%arg10 : memref<256x16xf32, #tpu.memory_space<vmem>>) target(%dma_start3A_22 : memref<256x16xf32, #tpu.memory_space<hbm>>) target_semaphore(%run_scoped3A : memref<!tpu.dma_semaphore, #tpu.memory_space<semaphore_mem>>)
      %dma_wait3A_23 = arith.constant 0 : i32
      %dma_wait3A_24 = tpu.memref_slice %arg6[%mul3A_2, %dma_wait3A_23] : memref<8192x16xf32, #tpu.memory_space<hbm>> -> memref<256x16xf32, #tpu.memory_space<hbm>>
      %dma_wait3A_25 = arith.constant 0 : i32
      %dma_wait3A_26 = tpu.memref_slice %arg6[%mul3A_2, %dma_wait3A_25] : memref<8192x16xf32, #tpu.memory_space<hbm>> -> memref<256x16xf32, #tpu.memory_space<hbm>>
      tpu.wait_dma2 semaphore(%run_scoped3A : memref<!tpu.dma_semaphore, #tpu.memory_space<semaphore_mem>>) src(%arg10 : memref<256x16xf32, #tpu.memory_space<vmem>>) dst(%dma_wait3A_26 : memref<256x16xf32, #tpu.memory_space<hbm>>)
      tpu.yield
    }) : () -> ()
    "tpu.region"() ({
      %run_scoped3A = tpu.sem_alloc : memref<!tpu.dma_semaphore, #tpu.memory_space<semaphore_mem>>
      %dma_start3A_19 = arith.constant 0 : i32
      %dma_start3A_20 = tpu.memref_slice %arg7[%mul3A_2, %dma_start3A_19] : memref<8192x16xf32, #tpu.memory_space<hbm>> -> memref<256x16xf32, #tpu.memory_space<hbm>>
      %dma_start3A_21 = arith.constant 0 : i32
      %dma_start3A_22 = tpu.memref_slice %arg7[%mul3A_2, %dma_start3A_21] : memref<8192x16xf32, #tpu.memory_space<hbm>> -> memref<256x16xf32, #tpu.memory_space<hbm>>
      tpu.enqueue_dma source(%arg11 : memref<256x16xf32, #tpu.memory_space<vmem>>) target(%dma_start3A_22 : memref<256x16xf32, #tpu.memory_space<hbm>>) target_semaphore(%run_scoped3A : memref<!tpu.dma_semaphore, #tpu.memory_space<semaphore_mem>>)
      %dma_wait3A_23 = arith.constant 0 : i32
      %dma_wait3A_24 = tpu.memref_slice %arg7[%mul3A_2, %dma_wait3A_23] : memref<8192x16xf32, #tpu.memory_space<hbm>> -> memref<256x16xf32, #tpu.memory_space<hbm>>
      %dma_wait3A_25 = arith.constant 0 : i32
      %dma_wait3A_26 = tpu.memref_slice %arg7[%mul3A_2, %dma_wait3A_25] : memref<8192x16xf32, #tpu.memory_space<hbm>> -> memref<256x16xf32, #tpu.memory_space<hbm>>
      tpu.wait_dma2 semaphore(%run_scoped3A : memref<!tpu.dma_semaphore, #tpu.memory_space<semaphore_mem>>) src(%arg11 : memref<256x16xf32, #tpu.memory_space<vmem>>) dst(%dma_wait3A_26 : memref<256x16xf32, #tpu.memory_space<hbm>>)
      tpu.yield
    }) : () -> ()
    "tpu.region"() ({
      %run_scoped3A = tpu.sem_alloc : memref<!tpu.dma_semaphore, #tpu.memory_space<semaphore_mem>>
      %dma_start3A_19 = arith.constant 0 : i32
      %dma_start3A_20 = tpu.memref_slice %arg8[%mul3A_2, %dma_start3A_19] : memref<8192x16xf32, #tpu.memory_space<hbm>> -> memref<256x16xf32, #tpu.memory_space<hbm>>
      %dma_start3A_21 = arith.constant 0 : i32
      %dma_start3A_22 = tpu.memref_slice %arg8[%mul3A_2, %dma_start3A_21] : memref<8192x16xf32, #tpu.memory_space<hbm>> -> memref<256x16xf32, #tpu.memory_space<hbm>>
      tpu.enqueue_dma source(%arg12 : memref<256x16xf32, #tpu.memory_space<vmem>>) target(%dma_start3A_22 : memref<256x16xf32, #tpu.memory_space<hbm>>) target_semaphore(%run_scoped3A : memref<!tpu.dma_semaphore, #tpu.memory_space<semaphore_mem>>)
      %dma_wait3A_23 = arith.constant 0 : i32
      %dma_wait3A_24 = tpu.memref_slice %arg8[%mul3A_2, %dma_wait3A_23] : memref<8192x16xf32, #tpu.memory_space<hbm>> -> memref<256x16xf32, #tpu.memory_space<hbm>>
      %dma_wait3A_25 = arith.constant 0 : i32
      %dma_wait3A_26 = tpu.memref_slice %arg8[%mul3A_2, %dma_wait3A_25] : memref<8192x16xf32, #tpu.memory_space<hbm>> -> memref<256x16xf32, #tpu.memory_space<hbm>>
      tpu.wait_dma2 semaphore(%run_scoped3A : memref<!tpu.dma_semaphore, #tpu.memory_space<semaphore_mem>>) src(%arg12 : memref<256x16xf32, #tpu.memory_space<vmem>>) dst(%dma_wait3A_26 : memref<256x16xf32, #tpu.memory_space<hbm>>)
      tpu.yield
    }) : () -> ()
    return
  }
}

module attributes {stable_mosaic.version = 14 : i64} {
  func.func @_topk_body(%arg0: i32, %arg1: memref<1024x8xf32, #tpu.memory_space<vmem>>, %arg2: memref<8x2048xf32, #tpu.memory_space<vmem>>, %arg3: memref<1024x1xf32, #tpu.memory_space<vmem>>, %arg4: memref<1x2048xf32, #tpu.memory_space<vmem>>, %arg5: memref<1x2048xf32, #tpu.memory_space<vmem>>, %arg6: memref<1024x8xi32, #tpu.memory_space<vmem>>, %arg7: memref<1024x8xf32, #tpu.memory_space<vmem>>, %arg8: memref<1024x8xf32, #tpu.memory_space<vmem>>) attributes {dimension_semantics = [#tpu.dimension_semantics<arbitrary>], iteration_bounds = array<i64: 49>, scalar_prefetch = 0 : i64, scratch_operands = 2 : i64, tpu.core_type = #tpu.core_type<tc>, window_params = [{pipeline_mode = #tpu.pipeline_mode<synchronous>, transform_indices = @transform_0, window_bounds = array<i64: 1024, 8>}, {transform_indices = @transform_1, window_bounds = array<i64: 8, 2048>}, {pipeline_mode = #tpu.pipeline_mode<synchronous>, transform_indices = @transform_2, window_bounds = array<i64: 1024, 1>}, {transform_indices = @transform_3, window_bounds = array<i64: 1, 2048>}, {transform_indices = @transform_4, window_bounds = array<i64: 1, 2048>}, {pipeline_mode = #tpu.pipeline_mode<synchronous>, transform_indices = @transform_5, window_bounds = array<i64: 1024, 8>}]} {
    %eq3A = arith.constant 0 : i32
    %eq3A_0 = arith.cmpi eq, %arg0, %eq3A : i32
    %convert_element_type3A = arith.extui %eq3A_0 : i1 to i32
    %cond3A = arith.constant 0 : i32
    %cond3A_1 = arith.cmpi ne, %convert_element_type3A, %cond3A : i32
    scf.if %cond3A_1 {
      %broadcast_in_dim3A_318 = arith.constant 3.000000e+38 : f32
      %broadcast_in_dim3A_319 = vector.broadcast %broadcast_in_dim3A_318 : f32 to vector<1024x8xf32>
      %swap3A_320 = arith.constant 0 : index
      %swap3A_321 = arith.constant 0 : index
      %swap3A_322 = vector.load %arg7[%swap3A_320, %swap3A_321] : memref<1024x8xf32, #tpu.memory_space<vmem>>, vector<1024x8xf32>
      tpu.vector_store %arg7[%swap3A_320, %swap3A_321], %broadcast_in_dim3A_319 {strides = array<i32>} : memref<1024x8xf32, #tpu.memory_space<vmem>>, vector<1024x8xf32>,
      %broadcast_in_dim3A_323 = arith.constant 0.000000e+00 : f32
      %broadcast_in_dim3A_324 = vector.broadcast %broadcast_in_dim3A_323 : f32 to vector<1024x8xf32>
      %swap3A_325 = arith.constant 0 : index
      %swap3A_326 = arith.constant 0 : index
      %swap3A_327 = vector.load %arg8[%swap3A_325, %swap3A_326] : memref<1024x8xf32, #tpu.memory_space<vmem>>, vector<1024x8xf32>
      tpu.vector_store %arg8[%swap3A_325, %swap3A_326], %broadcast_in_dim3A_324 {strides = array<i32>} : memref<1024x8xf32, #tpu.memory_space<vmem>>, vector<1024x8xf32>,
    } else {
    }
    %get3A = arith.constant 0 : index
    %get3A_2 = arith.constant 0 : index
    %get3A_3 = vector.load %arg1[%get3A, %get3A_2] : memref<1024x8xf32, #tpu.memory_space<vmem>>, vector<1024x8xf32>
    %get3A_4 = arith.constant 0 : index
    %get3A_5 = arith.constant 0 : index
    %get3A_6 = vector.load %arg2[%get3A_4, %get3A_5] : memref<8x2048xf32, #tpu.memory_space<vmem>>, vector<8x2048xf32>
    %dot_general3A = arith.constant dense<0.000000e+00> : vector<1024x2048xf32>
    %dot_general3A_7 = tpu.matmul %get3A_3, %get3A_6, %dot_general3A {dimension_numbers = #tpu.dot_dimension_numbers<[1], [0], [0], [1], [0, 0, 1, 1], [], []>, transpose_lhs_hint = false} : vector<1024x8xf32>, vector<8x2048xf32>, vector<1024x2048xf32> -> vector<1024x2048xf32>
    %get3A_8 = arith.constant 0 : index
    %get3A_9 = arith.constant 0 : index
    %get3A_10 = vector.load %arg3[%get3A_8, %get3A_9] : memref<1024x1xf32, #tpu.memory_space<vmem>>, vector<1024x1xf32>
    %get3A_11 = arith.constant 0 : index
    %get3A_12 = arith.constant 0 : index
    %get3A_13 = vector.load %arg4[%get3A_11, %get3A_12] : memref<1x2048xf32, #tpu.memory_space<vmem>>, vector<1x2048xf32>
    %add3A = vector.broadcast %get3A_10 : vector<1024x1xf32> to vector<1024x2048xf32>
    %add3A_14 = vector.broadcast %get3A_13 : vector<1x2048xf32> to vector<1024x2048xf32>
    %add3A_15 = arith.addf %add3A, %add3A_14 : vector<1024x2048xf32>
    %mul3A = arith.constant 2.000000e+00 : f32
    %mul3A_16 = vector.broadcast %mul3A : f32 to vector<1024x2048xf32>
    %mul3A_17 = arith.mulf %mul3A_16, %dot_general3A_7 : vector<1024x2048xf32>
    %sub3A = arith.subf %add3A_15, %mul3A_17 : vector<1024x2048xf32>
    %get3A_18 = arith.constant 0 : index
    %get3A_19 = arith.constant 0 : index
    %get3A_20 = vector.load %arg5[%get3A_18, %get3A_19] : memref<1x2048xf32, #tpu.memory_space<vmem>>, vector<1x2048xf32>
    %get3A_21 = arith.constant 0 : index
    %get3A_22 = arith.constant 0 : index
    %get3A_23 = vector.load %arg7[%get3A_21, %get3A_22] : memref<1024x8xf32, #tpu.memory_space<vmem>>, vector<1024x8xf32>
    %get3A_24 = arith.constant 0 : index
    %get3A_25 = arith.constant 0 : index
    %get3A_26 = vector.load %arg8[%get3A_24, %get3A_25] : memref<1024x8xf32, #tpu.memory_space<vmem>>, vector<1024x8xf32>
    %reduce_min3A = arith.constant dense<0x7F800000> : vector<1024xf32>
    %reduce_min3A_27 = vector.multi_reduction <minimumf>, %sub3A, %reduce_min3A [1] : vector<1024x2048xf32> to vector<1024xf32>
    %broadcast_in_dim3A = vector.shape_cast %reduce_min3A_27 : vector<1024xf32> to vector<1024x1xf32>
    %reduce_min3A_28 = arith.constant dense<0x7F800000> : vector<1024xf32>
    %reduce_min3A_29 = vector.multi_reduction <minimumf>, %get3A_23, %reduce_min3A_28 [1] : vector<1024x8xf32> to vector<1024xf32>
    %broadcast_in_dim3A_30 = vector.shape_cast %reduce_min3A_29 : vector<1024xf32> to vector<1024x1xf32>
    %min3A = arith.minimumf %broadcast_in_dim3A, %broadcast_in_dim3A_30 : vector<1024x1xf32>
    %eq3A_31 = vector.broadcast %min3A : vector<1024x1xf32> to vector<1024x2048xf32>
    %eq3A_32 = arith.cmpf oeq, %sub3A, %eq3A_31 : vector<1024x2048xf32>
    %jit3A = arith.constant 3.000000e+38 : f32
    %broadcast_in_dim3A_33 = vector.shape_cast %get3A_20 : vector<1x2048xf32> to vector<1x2048xf32>
    %broadcast_in_dim3A_34 = vector.broadcast %broadcast_in_dim3A_33 : vector<1x2048xf32> to vector<1024x2048xf32>
    %broadcast_in_dim3A_35 = vector.broadcast %jit3A : f32 to vector<1024x2048xf32>
    %select_n3A = arith.select %eq3A_32, %broadcast_in_dim3A_34, %broadcast_in_dim3A_35 : vector<1024x2048xi1>, vector<1024x2048xf32>
    %reduce_min3A_36 = arith.constant dense<0x7F800000> : vector<1024xf32>
    %reduce_min3A_37 = vector.multi_reduction <minimumf>, %select_n3A, %reduce_min3A_36 [1] : vector<1024x2048xf32> to vector<1024xf32>
    %broadcast_in_dim3A_38 = vector.shape_cast %reduce_min3A_37 : vector<1024xf32> to vector<1024x1xf32>
    %eq3A_39 = vector.broadcast %min3A : vector<1024x1xf32> to vector<1024x8xf32>
    %eq3A_40 = arith.cmpf oeq, %get3A_23, %eq3A_39 : vector<1024x8xf32>
    %jit3A_41 = arith.constant 3.000000e+38 : f32
    %broadcast_in_dim3A_42 = vector.broadcast %jit3A_41 : f32 to vector<1024x8xf32>
    %select_n3A_43 = arith.select %eq3A_40, %get3A_26, %broadcast_in_dim3A_42 : vector<1024x8xi1>, vector<1024x8xf32>
    %reduce_min3A_44 = arith.constant dense<0x7F800000> : vector<1024xf32>
    %reduce_min3A_45 = vector.multi_reduction <minimumf>, %select_n3A_43, %reduce_min3A_44 [1] : vector<1024x8xf32> to vector<1024xf32>
    %broadcast_in_dim3A_46 = vector.shape_cast %reduce_min3A_45 : vector<1024xf32> to vector<1024x1xf32>
    %min3A_47 = arith.minimumf %broadcast_in_dim3A_38, %broadcast_in_dim3A_46 : vector<1024x1xf32>
    %eq3A_48 = vector.broadcast %get3A_20 : vector<1x2048xf32> to vector<1024x2048xf32>
    %eq3A_49 = vector.broadcast %min3A_47 : vector<1024x1xf32> to vector<1024x2048xf32>
    %eq3A_50 = arith.cmpf oeq, %eq3A_48, %eq3A_49 : vector<1024x2048xf32>
    %jit3A_51 = arith.constant 3.000000e+38 : f32
    %broadcast_in_dim3A_52 = vector.broadcast %jit3A_51 : f32 to vector<1024x2048xf32>
    %select_n3A_53 = arith.select %eq3A_50, %broadcast_in_dim3A_52, %sub3A : vector<1024x2048xi1>, vector<1024x2048xf32>
    %eq3A_54 = vector.broadcast %min3A_47 : vector<1024x1xf32> to vector<1024x8xf32>
    %eq3A_55 = arith.cmpf oeq, %get3A_26, %eq3A_54 : vector<1024x8xf32>
    %jit3A_56 = arith.constant 3.000000e+38 : f32
    %broadcast_in_dim3A_57 = vector.broadcast %jit3A_56 : f32 to vector<1024x8xf32>
    %select_n3A_58 = arith.select %eq3A_55, %broadcast_in_dim3A_57, %get3A_23 : vector<1024x8xi1>, vector<1024x8xf32>
    %reduce_min3A_59 = arith.constant dense<0x7F800000> : vector<1024xf32>
    %reduce_min3A_60 = vector.multi_reduction <minimumf>, %select_n3A_53, %reduce_min3A_59 [1] : vector<1024x2048xf32> to vector<1024xf32>
    %broadcast_in_dim3A_61 = vector.shape_cast %reduce_min3A_60 : vector<1024xf32> to vector<1024x1xf32>
    %reduce_min3A_62 = arith.constant dense<0x7F800000> : vector<1024xf32>
    %reduce_min3A_63 = vector.multi_reduction <minimumf>, %select_n3A_58, %reduce_min3A_62 [1] : vector<1024x8xf32> to vector<1024xf32>
    %broadcast_in_dim3A_64 = vector.shape_cast %reduce_min3A_63 : vector<1024xf32> to vector<1024x1xf32>
    %min3A_65 = arith.minimumf %broadcast_in_dim3A_61, %broadcast_in_dim3A_64 : vector<1024x1xf32>
    %eq3A_66 = vector.broadcast %min3A_65 : vector<1024x1xf32> to vector<1024x2048xf32>
    %eq3A_67 = arith.cmpf oeq, %select_n3A_53, %eq3A_66 : vector<1024x2048xf32>
    %jit3A_68 = arith.constant 3.000000e+38 : f32
    %broadcast_in_dim3A_69 = vector.shape_cast %get3A_20 : vector<1x2048xf32> to vector<1x2048xf32>
    %broadcast_in_dim3A_70 = vector.broadcast %broadcast_in_dim3A_69 : vector<1x2048xf32> to vector<1024x2048xf32>
    %broadcast_in_dim3A_71 = vector.broadcast %jit3A_68 : f32 to vector<1024x2048xf32>
    %select_n3A_72 = arith.select %eq3A_67, %broadcast_in_dim3A_70, %broadcast_in_dim3A_71 : vector<1024x2048xi1>, vector<1024x2048xf32>
    %reduce_min3A_73 = arith.constant dense<0x7F800000> : vector<1024xf32>
    %reduce_min3A_74 = vector.multi_reduction <minimumf>, %select_n3A_72, %reduce_min3A_73 [1] : vector<1024x2048xf32> to vector<1024xf32>
    %broadcast_in_dim3A_75 = vector.shape_cast %reduce_min3A_74 : vector<1024xf32> to vector<1024x1xf32>
    %eq3A_76 = vector.broadcast %min3A_65 : vector<1024x1xf32> to vector<1024x8xf32>
    %eq3A_77 = arith.cmpf oeq, %select_n3A_58, %eq3A_76 : vector<1024x8xf32>
    %jit3A_78 = arith.constant 3.000000e+38 : f32
    %broadcast_in_dim3A_79 = vector.broadcast %jit3A_78 : f32 to vector<1024x8xf32>
    %select_n3A_80 = arith.select %eq3A_77, %get3A_26, %broadcast_in_dim3A_79 : vector<1024x8xi1>, vector<1024x8xf32>
    %reduce_min3A_81 = arith.constant dense<0x7F800000> : vector<1024xf32>
    %reduce_min3A_82 = vector.multi_reduction <minimumf>, %select_n3A_80, %reduce_min3A_81 [1] : vector<1024x8xf32> to vector<1024xf32>
    %broadcast_in_dim3A_83 = vector.shape_cast %reduce_min3A_82 : vector<1024xf32> to vector<1024x1xf32>
    %min3A_84 = arith.minimumf %broadcast_in_dim3A_75, %broadcast_in_dim3A_83 : vector<1024x1xf32>
    %eq3A_85 = vector.broadcast %get3A_20 : vector<1x2048xf32> to vector<1024x2048xf32>
    %eq3A_86 = vector.broadcast %min3A_84 : vector<1024x1xf32> to vector<1024x2048xf32>
    %eq3A_87 = arith.cmpf oeq, %eq3A_85, %eq3A_86 : vector<1024x2048xf32>
    %jit3A_88 = arith.constant 3.000000e+38 : f32
    %broadcast_in_dim3A_89 = vector.broadcast %jit3A_88 : f32 to vector<1024x2048xf32>
    %select_n3A_90 = arith.select %eq3A_87, %broadcast_in_dim3A_89, %select_n3A_53 : vector<1024x2048xi1>, vector<1024x2048xf32>
    %eq3A_91 = vector.broadcast %min3A_84 : vector<1024x1xf32> to vector<1024x8xf32>
    %eq3A_92 = arith.cmpf oeq, %get3A_26, %eq3A_91 : vector<1024x8xf32>
    %jit3A_93 = arith.constant 3.000000e+38 : f32
    %broadcast_in_dim3A_94 = vector.broadcast %jit3A_93 : f32 to vector<1024x8xf32>
    %select_n3A_95 = arith.select %eq3A_92, %broadcast_in_dim3A_94, %select_n3A_58 : vector<1024x8xi1>, vector<1024x8xf32>
    %reduce_min3A_96 = arith.constant dense<0x7F800000> : vector<1024xf32>
    %reduce_min3A_97 = vector.multi_reduction <minimumf>, %select_n3A_90, %reduce_min3A_96 [1] : vector<1024x2048xf32> to vector<1024xf32>
    %broadcast_in_dim3A_98 = vector.shape_cast %reduce_min3A_97 : vector<1024xf32> to vector<1024x1xf32>
    %reduce_min3A_99 = arith.constant dense<0x7F800000> : vector<1024xf32>
    %reduce_min3A_100 = vector.multi_reduction <minimumf>, %select_n3A_95, %reduce_min3A_99 [1] : vector<1024x8xf32> to vector<1024xf32>
    %broadcast_in_dim3A_101 = vector.shape_cast %reduce_min3A_100 : vector<1024xf32> to vector<1024x1xf32>
    %min3A_102 = arith.minimumf %broadcast_in_dim3A_98, %broadcast_in_dim3A_101 : vector<1024x1xf32>
    %eq3A_103 = vector.broadcast %min3A_102 : vector<1024x1xf32> to vector<1024x2048xf32>
    %eq3A_104 = arith.cmpf oeq, %select_n3A_90, %eq3A_103 : vector<1024x2048xf32>
    %jit3A_105 = arith.constant 3.000000e+38 : f32
    %broadcast_in_dim3A_106 = vector.shape_cast %get3A_20 : vector<1x2048xf32> to vector<1x2048xf32>
    %broadcast_in_dim3A_107 = vector.broadcast %broadcast_in_dim3A_106 : vector<1x2048xf32> to vector<1024x2048xf32>
    %broadcast_in_dim3A_108 = vector.broadcast %jit3A_105 : f32 to vector<1024x2048xf32>
    %select_n3A_109 = arith.select %eq3A_104, %broadcast_in_dim3A_107, %broadcast_in_dim3A_108 : vector<1024x2048xi1>, vector<1024x2048xf32>
    %reduce_min3A_110 = arith.constant dense<0x7F800000> : vector<1024xf32>
    %reduce_min3A_111 = vector.multi_reduction <minimumf>, %select_n3A_109, %reduce_min3A_110 [1] : vector<1024x2048xf32> to vector<1024xf32>
    %broadcast_in_dim3A_112 = vector.shape_cast %reduce_min3A_111 : vector<1024xf32> to vector<1024x1xf32>
    %eq3A_113 = vector.broadcast %min3A_102 : vector<1024x1xf32> to vector<1024x8xf32>
    %eq3A_114 = arith.cmpf oeq, %select_n3A_95, %eq3A_113 : vector<1024x8xf32>
    %jit3A_115 = arith.constant 3.000000e+38 : f32
    %broadcast_in_dim3A_116 = vector.broadcast %jit3A_115 : f32 to vector<1024x8xf32>
    %select_n3A_117 = arith.select %eq3A_114, %get3A_26, %broadcast_in_dim3A_116 : vector<1024x8xi1>, vector<1024x8xf32>
    %reduce_min3A_118 = arith.constant dense<0x7F800000> : vector<1024xf32>
    %reduce_min3A_119 = vector.multi_reduction <minimumf>, %select_n3A_117, %reduce_min3A_118 [1] : vector<1024x8xf32> to vector<1024xf32>
    %broadcast_in_dim3A_120 = vector.shape_cast %reduce_min3A_119 : vector<1024xf32> to vector<1024x1xf32>
    %min3A_121 = arith.minimumf %broadcast_in_dim3A_112, %broadcast_in_dim3A_120 : vector<1024x1xf32>
    %eq3A_122 = vector.broadcast %get3A_20 : vector<1x2048xf32> to vector<1024x2048xf32>
    %eq3A_123 = vector.broadcast %min3A_121 : vector<1024x1xf32> to vector<1024x2048xf32>
    %eq3A_124 = arith.cmpf oeq, %eq3A_122, %eq3A_123 : vector<1024x2048xf32>
    %jit3A_125 = arith.constant 3.000000e+38 : f32
    %broadcast_in_dim3A_126 = vector.broadcast %jit3A_125 : f32 to vector<1024x2048xf32>
    %select_n3A_127 = arith.select %eq3A_124, %broadcast_in_dim3A_126, %select_n3A_90 : vector<1024x2048xi1>, vector<1024x2048xf32>
    %eq3A_128 = vector.broadcast %min3A_121 : vector<1024x1xf32> to vector<1024x8xf32>
    %eq3A_129 = arith.cmpf oeq, %get3A_26, %eq3A_128 : vector<1024x8xf32>
    %jit3A_130 = arith.constant 3.000000e+38 : f32
    %broadcast_in_dim3A_131 = vector.broadcast %jit3A_130 : f32 to vector<1024x8xf32>
    %select_n3A_132 = arith.select %eq3A_129, %broadcast_in_dim3A_131, %select_n3A_95 : vector<1024x8xi1>, vector<1024x8xf32>
    %reduce_min3A_133 = arith.constant dense<0x7F800000> : vector<1024xf32>
    %reduce_min3A_134 = vector.multi_reduction <minimumf>, %select_n3A_127, %reduce_min3A_133 [1] : vector<1024x2048xf32> to vector<1024xf32>
    %broadcast_in_dim3A_135 = vector.shape_cast %reduce_min3A_134 : vector<1024xf32> to vector<1024x1xf32>
    %reduce_min3A_136 = arith.constant dense<0x7F800000> : vector<1024xf32>
    %reduce_min3A_137 = vector.multi_reduction <minimumf>, %select_n3A_132, %reduce_min3A_136 [1] : vector<1024x8xf32> to vector<1024xf32>
    %broadcast_in_dim3A_138 = vector.shape_cast %reduce_min3A_137 : vector<1024xf32> to vector<1024x1xf32>
    %min3A_139 = arith.minimumf %broadcast_in_dim3A_135, %broadcast_in_dim3A_138 : vector<1024x1xf32>
    %eq3A_140 = vector.broadcast %min3A_139 : vector<1024x1xf32> to vector<1024x2048xf32>
    %eq3A_141 = arith.cmpf oeq, %select_n3A_127, %eq3A_140 : vector<1024x2048xf32>
    %jit3A_142 = arith.constant 3.000000e+38 : f32
    %broadcast_in_dim3A_143 = vector.shape_cast %get3A_20 : vector<1x2048xf32> to vector<1x2048xf32>
    %broadcast_in_dim3A_144 = vector.broadcast %broadcast_in_dim3A_143 : vector<1x2048xf32> to vector<1024x2048xf32>
    %broadcast_in_dim3A_145 = vector.broadcast %jit3A_142 : f32 to vector<1024x2048xf32>
    %select_n3A_146 = arith.select %eq3A_141, %broadcast_in_dim3A_144, %broadcast_in_dim3A_145 : vector<1024x2048xi1>, vector<1024x2048xf32>
    %reduce_min3A_147 = arith.constant dense<0x7F800000> : vector<1024xf32>
    %reduce_min3A_148 = vector.multi_reduction <minimumf>, %select_n3A_146, %reduce_min3A_147 [1] : vector<1024x2048xf32> to vector<1024xf32>
    %broadcast_in_dim3A_149 = vector.shape_cast %reduce_min3A_148 : vector<1024xf32> to vector<1024x1xf32>
    %eq3A_150 = vector.broadcast %min3A_139 : vector<1024x1xf32> to vector<1024x8xf32>
    %eq3A_151 = arith.cmpf oeq, %select_n3A_132, %eq3A_150 : vector<1024x8xf32>
    %jit3A_152 = arith.constant 3.000000e+38 : f32
    %broadcast_in_dim3A_153 = vector.broadcast %jit3A_152 : f32 to vector<1024x8xf32>
    %select_n3A_154 = arith.select %eq3A_151, %get3A_26, %broadcast_in_dim3A_153 : vector<1024x8xi1>, vector<1024x8xf32>
    %reduce_min3A_155 = arith.constant dense<0x7F800000> : vector<1024xf32>
    %reduce_min3A_156 = vector.multi_reduction <minimumf>, %select_n3A_154, %reduce_min3A_155 [1] : vector<1024x8xf32> to vector<1024xf32>
    %broadcast_in_dim3A_157 = vector.shape_cast %reduce_min3A_156 : vector<1024xf32> to vector<1024x1xf32>
    %min3A_158 = arith.minimumf %broadcast_in_dim3A_149, %broadcast_in_dim3A_157 : vector<1024x1xf32>
    %eq3A_159 = vector.broadcast %get3A_20 : vector<1x2048xf32> to vector<1024x2048xf32>
    %eq3A_160 = vector.broadcast %min3A_158 : vector<1024x1xf32> to vector<1024x2048xf32>
    %eq3A_161 = arith.cmpf oeq, %eq3A_159, %eq3A_160 : vector<1024x2048xf32>
    %jit3A_162 = arith.constant 3.000000e+38 : f32
    %broadcast_in_dim3A_163 = vector.broadcast %jit3A_162 : f32 to vector<1024x2048xf32>
    %select_n3A_164 = arith.select %eq3A_161, %broadcast_in_dim3A_163, %select_n3A_127 : vector<1024x2048xi1>, vector<1024x2048xf32>
    %eq3A_165 = vector.broadcast %min3A_158 : vector<1024x1xf32> to vector<1024x8xf32>
    %eq3A_166 = arith.cmpf oeq, %get3A_26, %eq3A_165 : vector<1024x8xf32>
    %jit3A_167 = arith.constant 3.000000e+38 : f32
    %broadcast_in_dim3A_168 = vector.broadcast %jit3A_167 : f32 to vector<1024x8xf32>
    %select_n3A_169 = arith.select %eq3A_166, %broadcast_in_dim3A_168, %select_n3A_132 : vector<1024x8xi1>, vector<1024x8xf32>
    %reduce_min3A_170 = arith.constant dense<0x7F800000> : vector<1024xf32>
    %reduce_min3A_171 = vector.multi_reduction <minimumf>, %select_n3A_164, %reduce_min3A_170 [1] : vector<1024x2048xf32> to vector<1024xf32>
    %broadcast_in_dim3A_172 = vector.shape_cast %reduce_min3A_171 : vector<1024xf32> to vector<1024x1xf32>
    %reduce_min3A_173 = arith.constant dense<0x7F800000> : vector<1024xf32>
    %reduce_min3A_174 = vector.multi_reduction <minimumf>, %select_n3A_169, %reduce_min3A_173 [1] : vector<1024x8xf32> to vector<1024xf32>
    %broadcast_in_dim3A_175 = vector.shape_cast %reduce_min3A_174 : vector<1024xf32> to vector<1024x1xf32>
    %min3A_176 = arith.minimumf %broadcast_in_dim3A_172, %broadcast_in_dim3A_175 : vector<1024x1xf32>
    %eq3A_177 = vector.broadcast %min3A_176 : vector<1024x1xf32> to vector<1024x2048xf32>
    %eq3A_178 = arith.cmpf oeq, %select_n3A_164, %eq3A_177 : vector<1024x2048xf32>
    %jit3A_179 = arith.constant 3.000000e+38 : f32
    %broadcast_in_dim3A_180 = vector.shape_cast %get3A_20 : vector<1x2048xf32> to vector<1x2048xf32>
    %broadcast_in_dim3A_181 = vector.broadcast %broadcast_in_dim3A_180 : vector<1x2048xf32> to vector<1024x2048xf32>
    %broadcast_in_dim3A_182 = vector.broadcast %jit3A_179 : f32 to vector<1024x2048xf32>
    %select_n3A_183 = arith.select %eq3A_178, %broadcast_in_dim3A_181, %broadcast_in_dim3A_182 : vector<1024x2048xi1>, vector<1024x2048xf32>
    %reduce_min3A_184 = arith.constant dense<0x7F800000> : vector<1024xf32>
    %reduce_min3A_185 = vector.multi_reduction <minimumf>, %select_n3A_183, %reduce_min3A_184 [1] : vector<1024x2048xf32> to vector<1024xf32>
    %broadcast_in_dim3A_186 = vector.shape_cast %reduce_min3A_185 : vector<1024xf32> to vector<1024x1xf32>
    %eq3A_187 = vector.broadcast %min3A_176 : vector<1024x1xf32> to vector<1024x8xf32>
    %eq3A_188 = arith.cmpf oeq, %select_n3A_169, %eq3A_187 : vector<1024x8xf32>
    %jit3A_189 = arith.constant 3.000000e+38 : f32
    %broadcast_in_dim3A_190 = vector.broadcast %jit3A_189 : f32 to vector<1024x8xf32>
    %select_n3A_191 = arith.select %eq3A_188, %get3A_26, %broadcast_in_dim3A_190 : vector<1024x8xi1>, vector<1024x8xf32>
    %reduce_min3A_192 = arith.constant dense<0x7F800000> : vector<1024xf32>
    %reduce_min3A_193 = vector.multi_reduction <minimumf>, %select_n3A_191, %reduce_min3A_192 [1] : vector<1024x8xf32> to vector<1024xf32>
    %broadcast_in_dim3A_194 = vector.shape_cast %reduce_min3A_193 : vector<1024xf32> to vector<1024x1xf32>
    %min3A_195 = arith.minimumf %broadcast_in_dim3A_186, %broadcast_in_dim3A_194 : vector<1024x1xf32>
    %eq3A_196 = vector.broadcast %get3A_20 : vector<1x2048xf32> to vector<1024x2048xf32>
    %eq3A_197 = vector.broadcast %min3A_195 : vector<1024x1xf32> to vector<1024x2048xf32>
    %eq3A_198 = arith.cmpf oeq, %eq3A_196, %eq3A_197 : vector<1024x2048xf32>
    %jit3A_199 = arith.constant 3.000000e+38 : f32
    %broadcast_in_dim3A_200 = vector.broadcast %jit3A_199 : f32 to vector<1024x2048xf32>
    %select_n3A_201 = arith.select %eq3A_198, %broadcast_in_dim3A_200, %select_n3A_164 : vector<1024x2048xi1>, vector<1024x2048xf32>
    %eq3A_202 = vector.broadcast %min3A_195 : vector<1024x1xf32> to vector<1024x8xf32>
    %eq3A_203 = arith.cmpf oeq, %get3A_26, %eq3A_202 : vector<1024x8xf32>
    %jit3A_204 = arith.constant 3.000000e+38 : f32
    %broadcast_in_dim3A_205 = vector.broadcast %jit3A_204 : f32 to vector<1024x8xf32>
    %select_n3A_206 = arith.select %eq3A_203, %broadcast_in_dim3A_205, %select_n3A_169 : vector<1024x8xi1>, vector<1024x8xf32>
    %reduce_min3A_207 = arith.constant dense<0x7F800000> : vector<1024xf32>
    %reduce_min3A_208 = vector.multi_reduction <minimumf>, %select_n3A_201, %reduce_min3A_207 [1] : vector<1024x2048xf32> to vector<1024xf32>
    %broadcast_in_dim3A_209 = vector.shape_cast %reduce_min3A_208 : vector<1024xf32> to vector<1024x1xf32>
    %reduce_min3A_210 = arith.constant dense<0x7F800000> : vector<1024xf32>
    %reduce_min3A_211 = vector.multi_reduction <minimumf>, %select_n3A_206, %reduce_min3A_210 [1] : vector<1024x8xf32> to vector<1024xf32>
    %broadcast_in_dim3A_212 = vector.shape_cast %reduce_min3A_211 : vector<1024xf32> to vector<1024x1xf32>
    %min3A_213 = arith.minimumf %broadcast_in_dim3A_209, %broadcast_in_dim3A_212 : vector<1024x1xf32>
    %eq3A_214 = vector.broadcast %min3A_213 : vector<1024x1xf32> to vector<1024x2048xf32>
    %eq3A_215 = arith.cmpf oeq, %select_n3A_201, %eq3A_214 : vector<1024x2048xf32>
    %jit3A_216 = arith.constant 3.000000e+38 : f32
    %broadcast_in_dim3A_217 = vector.shape_cast %get3A_20 : vector<1x2048xf32> to vector<1x2048xf32>
    %broadcast_in_dim3A_218 = vector.broadcast %broadcast_in_dim3A_217 : vector<1x2048xf32> to vector<1024x2048xf32>
    %broadcast_in_dim3A_219 = vector.broadcast %jit3A_216 : f32 to vector<1024x2048xf32>
    %select_n3A_220 = arith.select %eq3A_215, %broadcast_in_dim3A_218, %broadcast_in_dim3A_219 : vector<1024x2048xi1>, vector<1024x2048xf32>
    %reduce_min3A_221 = arith.constant dense<0x7F800000> : vector<1024xf32>
    %reduce_min3A_222 = vector.multi_reduction <minimumf>, %select_n3A_220, %reduce_min3A_221 [1] : vector<1024x2048xf32> to vector<1024xf32>
    %broadcast_in_dim3A_223 = vector.shape_cast %reduce_min3A_222 : vector<1024xf32> to vector<1024x1xf32>
    %eq3A_224 = vector.broadcast %min3A_213 : vector<1024x1xf32> to vector<1024x8xf32>
    %eq3A_225 = arith.cmpf oeq, %select_n3A_206, %eq3A_224 : vector<1024x8xf32>
    %jit3A_226 = arith.constant 3.000000e+38 : f32
    %broadcast_in_dim3A_227 = vector.broadcast %jit3A_226 : f32 to vector<1024x8xf32>
    %select_n3A_228 = arith.select %eq3A_225, %get3A_26, %broadcast_in_dim3A_227 : vector<1024x8xi1>, vector<1024x8xf32>
    %reduce_min3A_229 = arith.constant dense<0x7F800000> : vector<1024xf32>
    %reduce_min3A_230 = vector.multi_reduction <minimumf>, %select_n3A_228, %reduce_min3A_229 [1] : vector<1024x8xf32> to vector<1024xf32>
    %broadcast_in_dim3A_231 = vector.shape_cast %reduce_min3A_230 : vector<1024xf32> to vector<1024x1xf32>
    %min3A_232 = arith.minimumf %broadcast_in_dim3A_223, %broadcast_in_dim3A_231 : vector<1024x1xf32>
    %eq3A_233 = vector.broadcast %get3A_20 : vector<1x2048xf32> to vector<1024x2048xf32>
    %eq3A_234 = vector.broadcast %min3A_232 : vector<1024x1xf32> to vector<1024x2048xf32>
    %eq3A_235 = arith.cmpf oeq, %eq3A_233, %eq3A_234 : vector<1024x2048xf32>
    %jit3A_236 = arith.constant 3.000000e+38 : f32
    %broadcast_in_dim3A_237 = vector.broadcast %jit3A_236 : f32 to vector<1024x2048xf32>
    %select_n3A_238 = arith.select %eq3A_235, %broadcast_in_dim3A_237, %select_n3A_201 : vector<1024x2048xi1>, vector<1024x2048xf32>
    %eq3A_239 = vector.broadcast %min3A_232 : vector<1024x1xf32> to vector<1024x8xf32>
    %eq3A_240 = arith.cmpf oeq, %get3A_26, %eq3A_239 : vector<1024x8xf32>
    %jit3A_241 = arith.constant 3.000000e+38 : f32
    %broadcast_in_dim3A_242 = vector.broadcast %jit3A_241 : f32 to vector<1024x8xf32>
    %select_n3A_243 = arith.select %eq3A_240, %broadcast_in_dim3A_242, %select_n3A_206 : vector<1024x8xi1>, vector<1024x8xf32>
    %reduce_min3A_244 = arith.constant dense<0x7F800000> : vector<1024xf32>
    %reduce_min3A_245 = vector.multi_reduction <minimumf>, %select_n3A_238, %reduce_min3A_244 [1] : vector<1024x2048xf32> to vector<1024xf32>
    %broadcast_in_dim3A_246 = vector.shape_cast %reduce_min3A_245 : vector<1024xf32> to vector<1024x1xf32>
    %reduce_min3A_247 = arith.constant dense<0x7F800000> : vector<1024xf32>
    %reduce_min3A_248 = vector.multi_reduction <minimumf>, %select_n3A_243, %reduce_min3A_247 [1] : vector<1024x8xf32> to vector<1024xf32>
    %broadcast_in_dim3A_249 = vector.shape_cast %reduce_min3A_248 : vector<1024xf32> to vector<1024x1xf32>
    %min3A_250 = arith.minimumf %broadcast_in_dim3A_246, %broadcast_in_dim3A_249 : vector<1024x1xf32>
    %eq3A_251 = vector.broadcast %min3A_250 : vector<1024x1xf32> to vector<1024x2048xf32>
    %eq3A_252 = arith.cmpf oeq, %select_n3A_238, %eq3A_251 : vector<1024x2048xf32>
    %jit3A_253 = arith.constant 3.000000e+38 : f32
    %broadcast_in_dim3A_254 = vector.shape_cast %get3A_20 : vector<1x2048xf32> to vector<1x2048xf32>
    %broadcast_in_dim3A_255 = vector.broadcast %broadcast_in_dim3A_254 : vector<1x2048xf32> to vector<1024x2048xf32>
    %broadcast_in_dim3A_256 = vector.broadcast %jit3A_253 : f32 to vector<1024x2048xf32>
    %select_n3A_257 = arith.select %eq3A_252, %broadcast_in_dim3A_255, %broadcast_in_dim3A_256 : vector<1024x2048xi1>, vector<1024x2048xf32>
    %reduce_min3A_258 = arith.constant dense<0x7F800000> : vector<1024xf32>
    %reduce_min3A_259 = vector.multi_reduction <minimumf>, %select_n3A_257, %reduce_min3A_258 [1] : vector<1024x2048xf32> to vector<1024xf32>
    %broadcast_in_dim3A_260 = vector.shape_cast %reduce_min3A_259 : vector<1024xf32> to vector<1024x1xf32>
    %eq3A_261 = vector.broadcast %min3A_250 : vector<1024x1xf32> to vector<1024x8xf32>
    %eq3A_262 = arith.cmpf oeq, %select_n3A_243, %eq3A_261 : vector<1024x8xf32>
    %jit3A_263 = arith.constant 3.000000e+38 : f32
    %broadcast_in_dim3A_264 = vector.broadcast %jit3A_263 : f32 to vector<1024x8xf32>
    %select_n3A_265 = arith.select %eq3A_262, %get3A_26, %broadcast_in_dim3A_264 : vector<1024x8xi1>, vector<1024x8xf32>
    %reduce_min3A_266 = arith.constant dense<0x7F800000> : vector<1024xf32>
    %reduce_min3A_267 = vector.multi_reduction <minimumf>, %select_n3A_265, %reduce_min3A_266 [1] : vector<1024x8xf32> to vector<1024xf32>
    %broadcast_in_dim3A_268 = vector.shape_cast %reduce_min3A_267 : vector<1024xf32> to vector<1024x1xf32>
    %min3A_269 = arith.minimumf %broadcast_in_dim3A_260, %broadcast_in_dim3A_268 : vector<1024x1xf32>
    %eq3A_270 = vector.broadcast %get3A_20 : vector<1x2048xf32> to vector<1024x2048xf32>
    %eq3A_271 = vector.broadcast %min3A_269 : vector<1024x1xf32> to vector<1024x2048xf32>
    %eq3A_272 = arith.cmpf oeq, %eq3A_270, %eq3A_271 : vector<1024x2048xf32>
    %jit3A_273 = arith.constant 3.000000e+38 : f32
    %broadcast_in_dim3A_274 = vector.broadcast %jit3A_273 : f32 to vector<1024x2048xf32>
    %select_n3A_275 = arith.select %eq3A_272, %broadcast_in_dim3A_274, %select_n3A_238 : vector<1024x2048xi1>, vector<1024x2048xf32>
    %eq3A_276 = vector.broadcast %min3A_269 : vector<1024x1xf32> to vector<1024x8xf32>
    %eq3A_277 = arith.cmpf oeq, %get3A_26, %eq3A_276 : vector<1024x8xf32>
    %jit3A_278 = arith.constant 3.000000e+38 : f32
    %broadcast_in_dim3A_279 = vector.broadcast %jit3A_278 : f32 to vector<1024x8xf32>
    %select_n3A_280 = arith.select %eq3A_277, %broadcast_in_dim3A_279, %select_n3A_243 : vector<1024x8xi1>, vector<1024x8xf32>
    %reduce_min3A_281 = arith.constant dense<0x7F800000> : vector<1024xf32>
    %reduce_min3A_282 = vector.multi_reduction <minimumf>, %select_n3A_275, %reduce_min3A_281 [1] : vector<1024x2048xf32> to vector<1024xf32>
    %broadcast_in_dim3A_283 = vector.shape_cast %reduce_min3A_282 : vector<1024xf32> to vector<1024x1xf32>
    %reduce_min3A_284 = arith.constant dense<0x7F800000> : vector<1024xf32>
    %reduce_min3A_285 = vector.multi_reduction <minimumf>, %select_n3A_280, %reduce_min3A_284 [1] : vector<1024x8xf32> to vector<1024xf32>
    %broadcast_in_dim3A_286 = vector.shape_cast %reduce_min3A_285 : vector<1024xf32> to vector<1024x1xf32>
    %min3A_287 = arith.minimumf %broadcast_in_dim3A_283, %broadcast_in_dim3A_286 : vector<1024x1xf32>
    %eq3A_288 = vector.broadcast %min3A_287 : vector<1024x1xf32> to vector<1024x2048xf32>
    %eq3A_289 = arith.cmpf oeq, %select_n3A_275, %eq3A_288 : vector<1024x2048xf32>
    %jit3A_290 = arith.constant 3.000000e+38 : f32
    %broadcast_in_dim3A_291 = vector.shape_cast %get3A_20 : vector<1x2048xf32> to vector<1x2048xf32>
    %broadcast_in_dim3A_292 = vector.broadcast %broadcast_in_dim3A_291 : vector<1x2048xf32> to vector<1024x2048xf32>
    %broadcast_in_dim3A_293 = vector.broadcast %jit3A_290 : f32 to vector<1024x2048xf32>
    %select_n3A_294 = arith.select %eq3A_289, %broadcast_in_dim3A_292, %broadcast_in_dim3A_293 : vector<1024x2048xi1>, vector<1024x2048xf32>
    %reduce_min3A_295 = arith.constant dense<0x7F800000> : vector<1024xf32>
    %reduce_min3A_296 = vector.multi_reduction <minimumf>, %select_n3A_294, %reduce_min3A_295 [1] : vector<1024x2048xf32> to vector<1024xf32>
    %broadcast_in_dim3A_297 = vector.shape_cast %reduce_min3A_296 : vector<1024xf32> to vector<1024x1xf32>
    %eq3A_298 = vector.broadcast %min3A_287 : vector<1024x1xf32> to vector<1024x8xf32>
    %eq3A_299 = arith.cmpf oeq, %select_n3A_280, %eq3A_298 : vector<1024x8xf32>
    %jit3A_300 = arith.constant 3.000000e+38 : f32
    %broadcast_in_dim3A_301 = vector.broadcast %jit3A_300 : f32 to vector<1024x8xf32>
    %select_n3A_302 = arith.select %eq3A_299, %get3A_26, %broadcast_in_dim3A_301 : vector<1024x8xi1>, vector<1024x8xf32>
    %reduce_min3A_303 = arith.constant dense<0x7F800000> : vector<1024xf32>
    %reduce_min3A_304 = vector.multi_reduction <minimumf>, %select_n3A_302, %reduce_min3A_303 [1] : vector<1024x8xf32> to vector<1024xf32>
    %broadcast_in_dim3A_305 = vector.shape_cast %reduce_min3A_304 : vector<1024xf32> to vector<1024x1xf32>
    %min3A_306 = arith.minimumf %broadcast_in_dim3A_297, %broadcast_in_dim3A_305 : vector<1024x1xf32>
    %concatenate3A = tpu.concatenate %min3A, %min3A_65, %min3A_102, %min3A_139, %min3A_176, %min3A_213, %min3A_250, %min3A_287 in 1 : vector<1024x1xf32>, vector<1024x1xf32>, vector<1024x1xf32>, vector<1024x1xf32>, vector<1024x1xf32>, vector<1024x1xf32>, vector<1024x1xf32>, vector<1024x1xf32> -> vector<1024x8xf32>
    %swap3A = arith.constant 0 : index
    %swap3A_307 = arith.constant 0 : index
    %swap3A_308 = vector.load %arg7[%swap3A, %swap3A_307] : memref<1024x8xf32, #tpu.memory_space<vmem>>, vector<1024x8xf32>
    tpu.vector_store %arg7[%swap3A, %swap3A_307], %concatenate3A {strides = array<i32>} : memref<1024x8xf32, #tpu.memory_space<vmem>>, vector<1024x8xf32>,
    %concatenate3A_309 = tpu.concatenate %min3A_47, %min3A_84, %min3A_121, %min3A_158, %min3A_195, %min3A_232, %min3A_269, %min3A_306 in 1 : vector<1024x1xf32>, vector<1024x1xf32>, vector<1024x1xf32>, vector<1024x1xf32>, vector<1024x1xf32>, vector<1024x1xf32>, vector<1024x1xf32>, vector<1024x1xf32> -> vector<1024x8xf32>
    %swap3A_310 = arith.constant 0 : index
    %swap3A_311 = arith.constant 0 : index
    %swap3A_312 = vector.load %arg8[%swap3A_310, %swap3A_311] : memref<1024x8xf32, #tpu.memory_space<vmem>>, vector<1024x8xf32>
    tpu.vector_store %arg8[%swap3A_310, %swap3A_311], %concatenate3A_309 {strides = array<i32>} : memref<1024x8xf32, #tpu.memory_space<vmem>>, vector<1024x8xf32>,
    %eq3A_313 = arith.constant 48 : i32
    %eq3A_314 = arith.cmpi eq, %arg0, %eq3A_313 : i32
    %convert_element_type3A_315 = arith.extui %eq3A_314 : i1 to i32
    %cond3A_316 = arith.constant 0 : i32
    %cond3A_317 = arith.cmpi ne, %convert_element_type3A_315, %cond3A_316 : i32
    scf.if %cond3A_317 {
      %get3A_318 = arith.constant 0 : index
      %get3A_319 = arith.constant 0 : index
      %get3A_320 = vector.load %arg8[%get3A_318, %get3A_319] : memref<1024x8xf32, #tpu.memory_space<vmem>>, vector<1024x8xf32>
      %convert_element_type3A_321 = arith.fptosi %get3A_320 : vector<1024x8xf32> to vector<1024x8xi32>
      %swap3A_322 = arith.constant 0 : index
      %swap3A_323 = arith.constant 0 : index
      %swap3A_324 = vector.load %arg6[%swap3A_322, %swap3A_323] : memref<1024x8xi32, #tpu.memory_space<vmem>>, vector<1024x8xi32>
      tpu.vector_store %arg6[%swap3A_322, %swap3A_323], %convert_element_type3A_321 {strides = array<i32>} : memref<1024x8xi32, #tpu.memory_space<vmem>>, vector<1024x8xi32>,
    } else {
    }
    return
  }
  func.func @transform_0(%arg0: i32) -> (i32, i32) {
    %c0_i32 = arith.constant 0 : i32
    %c0_i32_0 = arith.constant 0 : i32
    %c0_i32_1 = arith.constant 0 : i32
    return %c0_i32, %c0_i32_0 : i32, i32
  }
  func.func @transform_1(%arg0: i32) -> (i32, i32) {
    %c0_i32 = arith.constant 0 : i32
    %c0_i32_0 = arith.constant 0 : i32
    return %c0_i32, %arg0 : i32, i32
  }
  func.func @transform_2(%arg0: i32) -> (i32, i32) {
    %c0_i32 = arith.constant 0 : i32
    %c0_i32_0 = arith.constant 0 : i32
    %c0_i32_1 = arith.constant 0 : i32
    return %c0_i32, %c0_i32_0 : i32, i32
  }
  func.func @transform_3(%arg0: i32) -> (i32, i32) {
    %c0_i32 = arith.constant 0 : i32
    %c0_i32_0 = arith.constant 0 : i32
    return %c0_i32, %arg0 : i32, i32
  }
  func.func @transform_4(%arg0: i32) -> (i32, i32) {
    %c0_i32 = arith.constant 0 : i32
    %c0_i32_0 = arith.constant 0 : i32
    return %c0_i32, %arg0 : i32, i32
  }
  func.func @transform_5(%arg0: i32) -> (i32, i32) {
    %c0_i32 = arith.constant 0 : i32
    %c0_i32_0 = arith.constant 0 : i32
    %c0_i32_1 = arith.constant 0 : i32
    return %c0_i32, %c0_i32_0 : i32, i32
  }
}

</mosaic_0001>

<sc_bundles>
// kernel: kernel.4.cloned.1.call-start
scs
__scs_entry_jumppad:
0x0: {  	(pc) =	sbr.rel $0x88, $3  }
0x1: {  	(tag) =	ssettag $0x0;
	lr =	simm.s32 $0x1  }
0x2: {  	[smem:$0x3F9D] =	sst lr;
	_ =	strace $0xD0000000  }
0x3: {  	_ = 	snop  }
0x4: {  	_ = 	snop  }
0x5: {  	_ = 	snop  }
0x6: {  	_ = 	snop  }
0x7: {  	_ = 	snop  }
__scs_overlays_trampoline_lowered:
0x8: {  	[smem:$0x3FAC] =	sst s0  }
0x9: {  	[smem:$0x3FAD] =	sst s1  }
0xa: {  	[smem:$0x3FAE] =	sst s2  }
0xb: {  	[smem:$0x3FAF] =	sst s3  }
0xc: {  	[smem:$0x3FB0] =	sst s4  }
0xd: {  	[smem:$0x3FB1] =	sst s5  }
0xe: {  	[smem:$0x3FB2] =	sst s6  }
0xf: {  	[smem:$0x3FB3] =	sst s7  }
0x10: {  	[smem:$0x3FB4] =	sst s8  }
0x11: {  	[smem:$0x3FB5] =	sst s9;
	s0 =	simm.s32 @!p0 $0x0  }
0x12: {  	s1 =	sld [smem:$0x3F9B];
	s0 =	simm.s32 @p0 $0x1  }
0x13: {  	[smem:$0x3FB6] =	sst s0;
	s0 =	simm.s32 @!p1 $0x0  }
0x14: {  	s2 =	sld [smem:$0x3F9A];
	s0 =	simm.s32 @p1 $0x1  }
0x15: {  	[smem:$0x3FB7] =	sst s0;
	s0 =	simm.s32 @!p2 $0x0  }
0x16: {  	s3 =	sld [smem:$0x3FDB];
	s0 =	simm.s32 @p2 $0x1  }
0x17: {  	s4 =	simm.s32 $0x1BF5;
	[smem:$0x3FB9] =	sst s0  }
0x18: {  	s0 =	sld [smem:$0x3F9C];
	_ =	swait.ge [sflag:s4], $0x0  }
0x19: {  	s7 =	sld [smem:$0x3F9D]  }
0x1a: {  	s8 =	sadd.s32 $0xFFFFE003, lr  }
0x1b: {  	s9 =	sadd.s32 $0xFFFFFEF7, lr;
	s5 =	simm.s32 $0xFFFFFFFF;
	p2 =	slt.u32 s8, $0xFFFFF086  }
0x1c: {  	p1 =	slt.u32 s9, $0xF7A;
	s5 =	simm.s32 @!p2 $0x0  }
0x1d: {  	s5 =	simm.s32 @p1 $0x1;
	p0 =	seq.s32 s7, s2  }
0x1e: {  	s7 =	smul.u32 @!p0 $0xF7A, s2;
	p2 =	seq.s32 @!p0 s5, $0x0  }
0x1f: {  	s9 =	smul.u32 $0xF7A, s1;
	s8 =	simm.s32 @!p0 $0x1BF5;
	p2 =	por !p2, p0  }
0x20: {  	[sflag:s8] =	ssyncset.s32 @!p0 $0xFFFFF086;
	s6 =	sadd.s32 @!p0 s3, s7;
	s7 =	simm.s32 @!p0 $0x108  }
0x21: {  	s3 =	sadd.s32 s3, s9;
	s6 =	sadd.s32 @!p0 $0x88, s6;
	s7 =	simm.s32 @p2 $0x1082  }
0x22: {  	[simem:s7], [sflag:s8] =	dma.local @!p0 [hbm:s6], $0xF7A  }
0x23: {  	s9 =	sor.u32 $0xD0000000, s2;
	s6 =	simm.s32 $0x108;
	_ =	swait.ge @!p0 [sflag:s8], $0x0  }
0x24: {  	s3 =	sadd.s32 $0x88, s3;
	s6 =	simm.s32 @!p1 $0x1082;
	[sflag:s4] =	ssyncset.s32 $0xFFFFF086  }
0x25: {  	[simem:s6], [sflag:s4] =	dma.local [hbm:s3], $0xF7A  }
0x26: {  	[smem:$0x3F9D] =	sst s1;
	(tag) =	ssettag s2;
	_ =	strace s9  }
0x27: {  	s1 =	sld [smem:$0x3FAD]  }
0x28: {  	s2 =	sld [smem:$0x3FAE]  }
0x29: {  	s4 =	sld [smem:$0x3FB0]  }
0x2a: {  	p0 =	seq.s32 s5, $0x0;
	s5 =	sld [smem:$0x3FB1]  }
0x2b: {  	s6 =	sld [smem:$0x3FB2]  }
0x2c: {  	s7 =	sld [smem:$0x3FB3]  }
0x2d: {  	s3 =	simm.s32 $0x108;
	s8 =	sld [smem:$0x3FB4]  }
0x2e: {  	s3 =	simm.s32 @!p0 $0x1082;
	s9 =	sld [smem:$0x3FB5]  }
0x2f: {  	lr =	sadd.s32 s0, s3;
	s0 =	sld [smem:$0x3FAC]  }
0x30: {  	s3 =	sld [smem:$0x3FAF]  }
0x31: {  	[smem:$0x3FB8] =	sst s10  }
0x32: {  	s10 =	sld [smem:$0x3FB6];
	_ =	sdelay $0x3  }
0x33: {  	p0 =	seq.s32 s10, $0x1;
	s10 =	sld [smem:$0x3FB8];
	_ =	sdelay $0x3  }
0x34: {  	[smem:$0x3FB8] =	sst s10  }
0x35: {  	s10 =	sld [smem:$0x3FB7];
	_ =	sdelay $0x3  }
0x36: {  	p1 =	seq.s32 s10, $0x1;
	s10 =	sld [smem:$0x3FB8];
	_ =	sdelay $0x3  }
0x37: {  	[smem:$0x3FB8] =	sst s10  }
0x38: {  	s10 =	sld [smem:$0x3FB9]  }
0x39: {  	_ = 	snop;
	(pc) =	sbr.ind lr, $3  }
0x3a: {  	_ = 	snop  }
0x3b: {  	_ = 	snop  }
0x3c: {  	p2 =	seq.s32 s10, $0x1;
	s10 =	sld [smem:$0x3FB8]  }
0x3d: {  	_ =	shalt  }
0x3e: {  	_ =	shalt  }
0x3f: {  	_ =	shalt  }
0x40: {  	_ =	shalt  }
0x41: {  	_ =	shalt  }
0x42: {  	_ =	shalt  }
0x43: {  	_ =	shalt  }
0x44: {  	_ =	shalt  }
0x45: {  	_ =	shalt  }
0x46: {  	_ =	shalt  }
0x47: {  	_ =	shalt  }
0x48: {  	_ =	shalt  }
0x49: {  	_ =	shalt  }
0x4a: {  	_ =	shalt  }
0x4b: {  	_ =	shalt  }
0x4c: {  	_ =	shalt  }
0x4d: {  	_ =	shalt  }
0x4e: {  	_ =	shalt  }
0x4f: {  	_ =	shalt  }
0x50: {  	_ =	shalt  }
0x51: {  	_ =	shalt  }
0x52: {  	_ =	shalt  }
0x53: {  	_ =	shalt  }
0x54: {  	_ =	shalt  }
0x55: {  	_ =	shalt  }
0x56: {  	_ =	shalt  }
0x57: {  	_ =	shalt  }
0x58: {  	_ =	shalt  }
0x59: {  	_ =	shalt  }
0x5a: {  	_ =	shalt  }
0x5b: {  	_ =	shalt  }
0x5c: {  	_ =	shalt  }
0x5d: {  	_ =	shalt  }
0x5e: {  	_ =	shalt  }
0x5f: {  	_ =	shalt  }
0x60: {  	_ =	shalt  }
0x61: {  	_ =	shalt  }
0x62: {  	_ =	shalt  }
0x63: {  	_ =	shalt  }
0x64: {  	_ =	shalt  }
0x65: {  	_ =	shalt  }
0x66: {  	_ =	shalt  }
0x67: {  	_ =	shalt  }
0x68: {  	_ =	shalt  }
0x69: {  	_ =	shalt  }
0x6a: {  	_ =	shalt  }
0x6b: {  	_ =	shalt  }
0x6c: {  	_ =	shalt  }
0x6d: {  	_ =	shalt  }
0x6e: {  	_ =	shalt  }
0x6f: {  	_ =	shalt  }
0x70: {  	_ =	shalt  }
0x71: {  	_ =	shalt  }
0x72: {  	_ =	shalt  }
0x73: {  	_ =	shalt  }
0x74: {  	_ =	shalt  }
0x75: {  	_ =	shalt  }
0x76: {  	_ =	shalt  }
0x77: {  	_ =	shalt  }
0x78: {  	_ =	shalt  }
0x79: {  	_ =	shalt  }
0x7a: {  	_ =	shalt  }
0x7b: {  	_ =	shalt  }
0x7c: {  	_ =	shalt  }
0x7d: {  	_ =	shalt  }
0x7e: {  	_ =	shalt  }
0x7f: {  	_ =	shalt  }
0x80: {  	_ =	shalt  }
0x81: {  	_ =	shalt  }
0x82: {  	_ =	shalt  }
0x83: {  	_ =	shalt  }
0x84: {  	_ =	shalt  }
0x85: {  	_ =	shalt  }
0x86: {  	_ =	shalt  }
0x87: {  	_ =	shalt  }
.Lfunc_end0:
.L_simem_size_0:
called_computation_lowered:
.L_overlay_start_0:
0x88: {  	s2 =	sld [smem:$0x3FD9]  }
0x89: {  	s3 =	sld [smem:$0x3FFE];
	_ =	sdelay $0x1  }
0x8a: {  	s1 =	srdreg.scid  }
0x8b: {  	s0 =	sand.u32 $0x1, s1  }
0x8c: {  	s14 =	sshll.u32 s0, $0xA;
	s2 =	sadd.s32 s3, s2  }
0x8d: {  	s2 =	sadd.s32 s2, s14  }
0x8e: {  	[smem:$0x3FC4] =	sst s2  }
0x8f: {  	_ = 	snop  }
0x90: {  	s2 =	sld [smem:$0x3FD0];
	_ =	sdelay $0x2  }
0x91: {  	s15 =	simm.s32 $0xA;
	s4 =	simm.s32 $0x10  }
0x92: {  	[smem:s4], [sflag:s15] =	dma.local [hbm:s2], $0x1  }
0x93: {  	_ =	swait.eq [sflag:s15], $0x1  }
0x94: {  	s16 =	sld [smem:$0x10];
	[sflag:s15] =	ssyncset.done $0x0  }
0x95: {  	s17 =	sld [smem:$0x11];
	[sflag:s15] =	ssyncadd.s32 $0xFFFFFFFF  }
0x96: {  	s18 =	sld [smem:$0x12];
	(tm) =	ssettm $0x1  }
0x97: {  	s5 =	sld [smem:$0x3FFB];
	_ =	sdelay $0x3  }
0x98: {  	_ =	strace s5  }
0x99: {  	s5 =	sld [smem:$0x3FFC];
	_ =	sdelay $0x3  }
0x9a: {  	_ =	strace s5  }
0x9b: {  	s5 =	sld [smem:$0x3FFD];
	_ =	sdelay $0x3  }
0x9c: {  	_ =	strace s5  }
0x9d: {  	_ =	strace $0x8FFFFFFF  }
0x9e: {  	s19 =	sld [smem:$0x3FDB];
	_ =	sdelay $0x1  }
0x9f: {  	s6 =	simm.s32 $_scs_section_size  }
0xa0: {  	s7 =	simm.s32 $_size__tile_overlayer_lowered;
	s8 =	simm.s32 $_tile_overlayer_lowered  }
0xa1: {  	s22 =	simm.s32 $0x1BFF;
	s21 =	sshll.u32 s8, $0x1;
	s5 =	sadd.s32 s6, s19  }
0xa2: {  	s9 =	simm.s32 $0x0;
	s20 =	sshll.u32 s7, $0x1;
	s7 =	sadd.s32 s21, s5  }
0xa3: {  	[timem:s9], [sflag:s22] =	dma.local [hbm:s7], s20  }
0xa4: {  	_ =	swait.ge [sflag:s22], s20  }
0xa5: {  	s6 =	ssub.s32 $0x0, s20;
	[sflag:s22] =	ssyncset.done $0x0  }
0xa6: {  	[sflag:s22] =	ssyncadd.s32 s6;
	_ =	sdelay $0x1  }
0xa7: {  	s23 =	simm.s32 $0x1B8B  }
0xa8: {  	_ =	swait.ge [sflag:s23], $0x1  }
0xa9: {  	[sflag:s23] =	ssyncset.done $0x0  }
0xaa: {  	s25 =	simm.s32 $0x1B8E;
	s24 =	sld [smem:$0x3FFE];
	[sflag:s23] =	ssyncadd.s32 $0xFFFFFFFF  }
0xab: {  	s26 =	simm.s32 $execute0_lowered;
	[smem:$0x3FD2] =	sst s25  }
0xac: {  	s7 =	sshll.u32 s26, $0x1;
	_ =	strace $0x80000046;
	[dreg:$0x1] =	wrdreg $0xFFFFFFFF  }
0xad: {  	s28 =	simm.s32 $_size_execute0_lowered;
	s5 =	sadd.s32 s5, s7;
	[dreg:$0x0] =	wrdreg $0x0  }
0xae: {  	s7 =	sshll.u32 s28, $0x1;
	[dreg:$0x2] =	wrdreg s5  }
0xaf: {  	[dreg:$0x3] =	wrdreg s7  }
0xb0: {  	[dreg:$0x4] =	wrdreg $0xC0  }
0xb1: {  	_ =	task [dreg:s9], $0x5FFFF  }
0xb2: {  	[dreg:$0x1] =	wrdreg $0xFFFFFFFF  }
0xb3: {  	[dreg:$0x0] =	wrdreg $0x60  }
0xb4: {  	[dreg:$0x2] =	wrdreg s24  }
0xb5: {  	[dreg:$0x3] =	wrdreg s18  }
0xb6: {  	[dreg:$0x4] =	wrdreg s17  }
0xb7: {  	[dreg:$0x5] =	wrdreg s16  }
0xb8: {  	[dreg:$0x6] =	wrdreg $0x9  }
0xb9: {  	_ =	task.clear_ibuf [dreg:s9], $0x7FFFF;
	_ =	strace $0x90000046  }
0xba: {  	s29 =	simm.s32 $0x9;
	_ =	strace $0x80000048  }
0xbb: {  	_ =	swait.ge [sflag:s29], $0x1  }
0xbc: {  	[sflag:s29] =	ssyncadd.s32 $0xFFFFFFFF  }
0xbd: {  	_ =	strace $0x90000048  }
0xbe: {  	_ =	sfence  }
0xbf: {  	s30 =	sld [smem:$0x0];
	_ =	sdelay $0x2  }
0xc0: {  	s31 =	sshll.u32 s1, $0xD;
	s1 =	sshrl.u32 s1, $0x2  }
0xc1: {  	s3 =	sand.u32 $0x4000, s31;
	s1 =	sadd.s32 s1, s30  }
0xc2: {  	s0 =	sor.u32 s3, s0;
	s1 =	sshll.u32 s1, $0x11  }
0xc3: {  	s0 =	sor.u32 s1, s0  }
0xc4: {  	s0 =	sadd.s32 $0x8F2B, s0  }
0xc5: {  	[sflag:s0] =	ssyncadd.remote.s32 $0x1  }
0xc6: {  	_ =	sfence.sel $0xFFFF  }
0xc7: {  	[dreg:$0x0] =	wrdreg $0xFFFFFFFF;
	(pc) =	sbr.abs _section_cstart, $3  }
0xc8: {  	[dreg:$0x1] =	wrdreg $0xFFFFFFFF  }
0xc9: {  	_ =	task.clear_ibuf [dreg:s9], $0x2FFFF;
	_ =	strace $0x9FFFFFFF  }
0xca: {  	(tm) =	ssettm $0x7FFFFFFF  }
0xcb: {  	_ =	shalt  }
tec
execute0_lowered:
.L_overlay_start_1:
0x0: {  	(tag) =	ssettag $0x1  }
0x1: {  	s9 =	rddreg [dreg:$0x0];
	s1 =	srdreg.scid  }
0x2: {  	s14 =	rddreg [dreg:$0x1];
	s0 =	stileid.u32;
	s15 =	sand.u32 $0x1, s1  }
0x3: {  	s16 =	rddreg [dreg:$0x2];
	s29 =	sshll.u32 s0, $0x9;
	s2 =	sshll.u32 s15, $0x8  }
0x4: {  	s17 =	rddreg [dreg:$0x3];
	s18 =	sor.u32 s2, s29  }
0x5: {  	s1 =	rddreg [dreg:$0x4];
	s2 =	simm.s32 $0x0;
	s3 =	sshrl.u32 s18, $0x3  }
0x6: {  	[smem:$0x7FF] =	sst s2;
	s3 =	sadd.s32 s3, s9  }
0x7: {  	_ =	strace $0x80000047;
	s4 =	sadd.s32 $0xA00, s3;
	s3 =	simm.s32 $0x4  }
0x8: {  	[tilespmem:s2], [sflag:$0x4] =	stream.linear.gather [hbm4b:s4+s2], $0x100, $0x38;
	[tilespmem:$0x3100] =	vst v63  }
0x9: {  	_ =	swait.ge [sflag:s3], $0x100  }
0xa: {  	[sflag:s3] =	ssyncset.done $0x0  }
0xb: {  	s6 =	simm.s32 $0x100;
	s5 =	sadd.s32 $0x187800, s9;
	[sflag:s3] =	ssyncadd.s32 $0xFFFFFF00  }
0xc: {  	[tilespmem:s6], [sflag:$0x1] =	stream.indirect.gather [hbm4b:s5+s6], $0x10, s2, s6, $0xb8;
	[tilespmem:$0x3100] =	vst v63  }
0xd: {  	s8 =	simm.s32 $0x1100;
	s7 =	sadd.s32 $0x1B8600, s9  }
0xe: {  	[tilespmem:s8], [sflag:$0x2] =	stream.indirect.gather [hbm4b:s7+s6], $0x10, s2, s6, $0xb8;
	[tilespmem:$0x3100] =	vst v63  }
0xf: {  	s10 =	simm.s32 $0x2100;
	s11 =	simm.s32 $0x1;
	s9 =	sadd.s32 $0x1E9400, s9  }
0x10: {  	[tilespmem:s10], [sflag:$0x3] =	stream.indirect.gather [hbm4b:s9+s6], $0x10, s2, s6, $0xb8;
	[tilespmem:$0x3100] =	vst v63  }
0x11: {  	_ =	swait.ge [sflag:s11], $0x1000  }
0x12: {  	[sflag:s11] =	ssyncset.done $0x0  }
0x13: {  	s12 =	simm.s32 $0x2;
	[sflag:s11] =	ssyncadd.s32 $0xFFFFF000  }
0x14: {  	_ =	swait.ge [sflag:s12], $0x1000  }
0x15: {  	[sflag:s12] =	ssyncset.done $0x0  }
0x16: {  	s13 =	simm.s32 $0x3;
	[sflag:s12] =	ssyncadd.s32 $0xFFFFF000  }
0x17: {  	_ =	swait.ge [sflag:s13], $0x1000  }
0x18: {  	s18 =	sshll.u32 s18, $0x1;
	[sflag:s13] =	ssyncset.done $0x0  }
0x19: {  	s19 =	ssub.s32 $0x2, s15;
	s14 =	sadd.s32 s14, s18;
	[sflag:s13] =	ssyncadd.s32 $0xFFFFF000  }
0x1a: {  	[hbm4b:s14+s2] =	stream.linear.scatter [tilespmem:s6], [sflag:$0x4], $0x1000, $0x38;
	[tilespmem:$0x3100] =	vst v63  }
0x1b: {  	s30 =	sshrl.u32 s19, $0x1;
	_ =	swait.ge [sflag:s3], $0x1000  }
0x1c: {  	s19 =	ssub.s32 s19, s30;
	[sflag:s3] =	ssyncset.done $0x0  }
0x1d: {  	s15 =	sadd.s32 s16, s18;
	s31 =	smax.u32 s19, $0x1;
	[sflag:s3] =	ssyncadd.s32 $0xFFFFF000  }
0x1e: {  	[hbm4b:s15+s2] =	stream.linear.scatter [tilespmem:s8], [sflag:$0x4], $0x1000, $0x38;
	[tilespmem:$0x3100] =	vst v63  }
0x1f: {  	p0 =	sne.s32 s31, $0x1;
	_ =	swait.ge [sflag:s3], $0x1000  }
.Ltmp0:
0x20: {  	[sflag:s3] =	ssyncset.done $0x0;
	(pc) =	sbr.rel @!p0 .LBB2_2-.Ltmp0, $4  }
0x21: {  	s16 =	sadd.s32 s17, s18;
	[sflag:s3] =	ssyncadd.s32 $0xFFFFF000  }
0x22: {  	[hbm4b:s16+s2] =	stream.linear.scatter [tilespmem:s10], [sflag:$0x4], $0x1000, $0x38;
	[tilespmem:$0x3100] =	vst v63  }
0x23: {  	_ =	swait.ge [sflag:s3], $0x1000  }
0x24: {  	s17 =	sadd.s32 $0xFFFFFFFF, s31;
	[sflag:s3] =	ssyncset.done $0x0  }
.LBB2_1:
0x25: {  	p0 =	sne.s32 s17, $0x1;
	s17 =	sadd.s32 $0xFFFFFFFF, s17;
	[sflag:s3] =	ssyncadd.s32 $0xFFFFF000  }
0x26: {  	[tilespmem:s2], [sflag:$0x4] =	stream.linear.gather [hbm4b:s4+s2], $0x100, $0x38;
	[tilespmem:$0x3100] =	vst v63  }
0x27: {  	_ =	swait.ge [sflag:s3], $0x100  }
0x28: {  	[sflag:s3] =	ssyncset.done $0x0  }
0x29: {  	[sflag:s3] =	ssyncadd.s32 $0xFFFFFF00  }
0x2a: {  	[tilespmem:s6], [sflag:$0x1] =	stream.indirect.gather [hbm4b:s5+s6], $0x10, s2, s6, $0xb8;
	[tilespmem:$0x3100] =	vst v63  }
0x2b: {  	_ = 	snop  }
0x2c: {  	[tilespmem:s8], [sflag:$0x2] =	stream.indirect.gather [hbm4b:s7+s6], $0x10, s2, s6, $0xb8;
	[tilespmem:$0x3100] =	vst v63  }
0x2d: {  	_ = 	snop  }
0x2e: {  	[tilespmem:s10], [sflag:$0x3] =	stream.indirect.gather [hbm4b:s9+s6], $0x10, s2, s6, $0xb8;
	[tilespmem:$0x3100] =	vst v63  }
0x2f: {  	_ =	swait.ge [sflag:s11], $0x1000  }
0x30: {  	[sflag:s11] =	ssyncset.done $0x0  }
0x31: {  	[sflag:s11] =	ssyncadd.s32 $0xFFFFF000  }
0x32: {  	_ =	swait.ge [sflag:s12], $0x1000  }
0x33: {  	[sflag:s12] =	ssyncset.done $0x0  }
0x34: {  	[sflag:s12] =	ssyncadd.s32 $0xFFFFF000  }
0x35: {  	_ =	swait.ge [sflag:s13], $0x1000  }
0x36: {  	[sflag:s13] =	ssyncset.done $0x0  }
0x37: {  	[sflag:s13] =	ssyncadd.s32 $0xFFFFF000  }
0x38: {  	[hbm4b:s14+s2] =	stream.linear.scatter [tilespmem:s6], [sflag:$0x4], $0x1000, $0x38;
	[tilespmem:$0x3100] =	vst v63  }
0x39: {  	_ =	swait.ge [sflag:s3], $0x1000  }
0x3a: {  	[sflag:s3] =	ssyncset.done $0x0  }
0x3b: {  	[sflag:s3] =	ssyncadd.s32 $0xFFFFF000  }
0x3c: {  	[hbm4b:s15+s2] =	stream.linear.scatter [tilespmem:s8], [sflag:$0x4], $0x1000, $0x38;
	[tilespmem:$0x3100] =	vst v63  }
0x3d: {  	_ =	swait.ge [sflag:s3], $0x1000  }
.Ltmp1:
0x3e: {  	[sflag:s3] =	ssyncset.done $0x0;
	(pc) =	sbr.rel @p0 .LBB2_1-.Ltmp1, $4  }
0x3f: {  	[sflag:s3] =	ssyncadd.s32 $0xFFFFF000  }
0x40: {  	[hbm4b:s16+s2] =	stream.linear.scatter [tilespmem:s10], [sflag:$0x4], $0x1000, $0x38;
	[tilespmem:$0x3100] =	vst v63  }
0x41: {  	_ =	swait.ge [sflag:s3], $0x1000  }
0x42: {  	[sflag:s3] =	ssyncset.done $0x0  }
.LBB2_2:
0x43: {  	[sflag:s3] =	ssyncadd.s32 $0xFFFFF000  }
0x44: {  	_ =	sfence.sel $0x180000  }
0x45: {  	[bflag:$0x0] =	sbarrier.arrive $0xFFFF  }
0x46: {  	p0 =	sne.s32 s0, $0x0;
	_ =	strace $0x90000047  }
0x47: {  	s0 =	sadd.s32 @!p0 $0x100000, s1;
	[bflag:$0x2] =	sbarrier.arrive $0xFFFF  }
0x48: {  	[sflag:s0] =	ssyncadd.tile.s32 @!p0 $0x1;
	_ =	shalt  }
.Lfunc_end2:
_tile_overlayer_lowered:
.L_overlay_start_2:
0x49: {  	(tag) =	ssettag $0x2  }
0x4a: {  	s0 =	rddreg [dreg:$0x0];
	s2 =	stileid.u32  }
0x4b: {  	s1 =	rddreg [dreg:$0x1];
	p0 =	sne.s32 s2, $0x0  }
0x4c: {  	s3 =	rddreg [dreg:$0x2];
	[bflag:$0x3] =	sbarrier.arrive $0xFFFF;
	s2 =	simm.s32 @!p0 $0x1C04  }
0x4d: {  	[timem:s3], [sflag:s2] =	dma.local @!p0 [hbm:s0], s1  }
0x4e: {  	s0 =	simm.s32 @!p0 $0x4  }
0x4f: {  	_ =	swait.ge @!p0 [sflag:s0], s1  }
0x50: {  	s1 =	ssub.s32 @!p0 $0x0, s1;
	[sflag:s0] =	ssyncset.done @!p0 $0x0  }
0x51: {  	[sflag:s0] =	ssyncadd.s32 @!p0 s1  }
0x52: {  	[bflag:$0x3] =	sbarrier.arrive $0xFFFF  }
0x53: {  	_ =	shalt  }

</sc_bundles>
